<compile_context>
chip_gen: v7x
topology: tpu7x:2x2x1
jax: 0.10.2.dev20260603
libtpu: 0.0.44.dev20260713+nightly
codegen_flags: <defaults>
</compile_context>

<pallas_src>
import functools

import jax
import jax.numpy as jnp
from jax import lax
from jax.experimental import pallas as pl

PH, PW = 2, 2


def _unpool_body(val_ref, mask_ref, out_ref, *, hb, W, C, H):
    Ho, Wo = H * PH, W * PW
    b = pl.program_id(0)
    h = pl.program_id(1)
    v = val_ref[0]
    m = mask_ref[0]
    y = lax.broadcasted_iota(jnp.int32, (hb, W, C), 0)
    x = lax.broadcasted_iota(jnp.int32, (hb, W, C), 1)
    c = lax.broadcasted_iota(jnp.int32, (hb, W, C), 2)
    yg = h * hb + y
    base = ((b * Ho + 2 * yg) * Wo + 2 * x) * C + c
    diff = m - base
    dy1 = diff >= Wo * C
    dx1 = (diff == C) | (diff == Wo * C + C)
    dy0 = jnp.logical_not(dy1)
    dx0 = jnp.logical_not(dx1)
    zero = jnp.zeros_like(v)
    for py, rowsel in ((0, dy0), (1, dy1)):
        a0 = jnp.where(rowsel & dx0, v, zero)
        a1 = jnp.where(rowsel & dx1, v, zero)
        out_ref[0, :, py] = jnp.concatenate([a0, a1], axis=-1)


def _unpool_tc(val, mask, interpret=False):
    B, H, W, C = val.shape
    Ho, Wo = H * PH, W * PW
    m = mask.astype(jnp.int32)
    hb = 16
    assert H % hb == 0
    body = functools.partial(_unpool_body, hb=hb, W=W, C=C, H=H)
    out = pl.pallas_call(
        body,
        grid=(B, H // hb),
        in_specs=[
            pl.BlockSpec((1, hb, W, C), lambda b, h: (b, h, 0, 0)),
            pl.BlockSpec((1, hb, W, C), lambda b, h: (b, h, 0, 0)),
        ],
        out_specs=pl.BlockSpec((1, hb, 2, W, 2 * C), lambda b, h: (b, h, 0, 0, 0)),
        out_shape=jax.ShapeDtypeStruct((B, H, 2, W, 2 * C), val.dtype),
        interpret=interpret,
    )(val, m)
    return out.reshape(B, Ho, Wo, C)


def kernel(val, mask):
    return _unpool_tc(val, mask)

# --- scband reference (transcript-rebuilt; emitter-appended) ---
"""Pipeline reference for scband-unpool-73383811219747 (READ-ONLY COPY).

The authoritative reference and input builder live on the scoring server;
editing this copy changes nothing except your own understanding.
"""

import jax, jax.numpy as jnp
import numpy as np

B, H, W, C = 8, 112, 112, 96
PH, PW = 2, 2


def setup_inputs(seed: int = 0) -> dict:
    key = jax.random.key(seed)
    k1, k2, k3 = jax.random.split(key, 3)
    val = jax.random.normal(k1, (B, H, W, C), dtype=jnp.float32)
    # Build a valid max_pool_with_argmax-style mask (include_batch_in_index=True):
    # each pooled element points to one location inside its PHxPW window of the
    # unpooled (B, H*PH, W*PW, C) tensor, flattened per TF convention.
    dy = jax.random.randint(k2, (B, H, W, C), 0, PH)
    dx = jax.random.randint(k3, (B, H, W, C), 0, PW)
    bb = jnp.arange(B).reshape(B, 1, 1, 1)
    yy = jnp.arange(H).reshape(1, H, 1, 1)
    xx = jnp.arange(W).reshape(1, 1, W, 1)
    cc = jnp.arange(C).reshape(1, 1, 1, C)
    Ho, Wo = H * PH, W * PW
    mask = (((bb * Ho + (yy * PH + dy)) * Wo + (xx * PW + dx)) * C + cc).astype(jnp.int64)
    return {"val": val, "mask": mask}


def reference(val, mask):
    # Faithful translation of the Keras Unpool layer.
    Bs, Hs, Ws, Cs = val.shape
    U = Hs * Ws * Cs * PH * PW  # unpooled flat size per batch element
    flat_val = val.reshape(-1)
    # batch id for every flattened element (tf: ones_like(mask) * batch_range)
    b = jnp.repeat(jnp.arange(Bs, dtype=jnp.int64), Hs * Ws * Cs)
    ind = mask.reshape(-1) - b * jnp.int64(U)
    # tf.scatter_nd accumulates duplicate indices -> use .at[...].add
    ans = jnp.zeros((Bs, U), dtype=val.dtype).at[b, ind].add(flat_val)
    ans = ans.reshape(Bs, Hs * PH, Ws * PW, Cs)
    return ans

if __name__ == "__main__":
    import jax
    _d = setup_inputs()
    print(jax.jit(kernel)(*tuple(_d.values())))

</pallas_src>

<mosaic_0001>
module attributes {stable_mosaic.version = 14 : i64} {
  func.func @_unpool_body(%arg0: i32, %arg1: i32, %arg2: memref<1x16x112x96xf32, #tpu.memory_space<vmem>>, %arg3: memref<1x16x112x96xi32, #tpu.memory_space<vmem>>, %arg4: memref<1x16x2x112x192xf32, #tpu.memory_space<vmem>>) attributes {dimension_semantics = [#tpu.dimension_semantics<arbitrary>, #tpu.dimension_semantics<arbitrary>], iteration_bounds = array<i64: 8, 7>, scalar_prefetch = 0 : i64, scratch_operands = 0 : i64, tpu.core_type = #tpu.core_type<tc>, window_params = [{transform_indices = @transform_0, window_bounds = array<i64: 1, 16, 112, 96>}, {transform_indices = @transform_1, window_bounds = array<i64: 1, 16, 112, 96>}, {transform_indices = @transform_2, window_bounds = array<i64: 1, 16, 2, 112, 192>}]} {
    %get3A = arith.constant 0 : index
    %get3A_0 = arith.constant 0 : index
    %get3A_1 = arith.constant 0 : index
    %get3A_2 = arith.constant 0 : index
    %get3A_3 = vector.load %arg2[%get3A, %get3A_0, %get3A_1, %get3A_2] : memref<1x16x112x96xf32, #tpu.memory_space<vmem>>, vector<1x16x112x96xf32>
    %get3A_4 = vector.shape_cast %get3A_3 : vector<1x16x112x96xf32> to vector<16x112x96xf32>
    %get3A_5 = arith.constant 0 : index
    %get3A_6 = arith.constant 0 : index
    %get3A_7 = arith.constant 0 : index
    %get3A_8 = arith.constant 0 : index
    %get3A_9 = vector.load %arg3[%get3A_5, %get3A_6, %get3A_7, %get3A_8] : memref<1x16x112x96xi32, #tpu.memory_space<vmem>>, vector<1x16x112x96xi32>
    %get3A_10 = vector.shape_cast %get3A_9 : vector<1x16x112x96xi32> to vector<16x112x96xi32>
    %iota3A = tpu.iota {dimensions = array<i32: 0>} : vector<16x112x96xi32>
    %iota3A_11 = tpu.iota {dimensions = array<i32: 1>} : vector<16x112x96xi32>
    %iota3A_12 = tpu.iota {dimensions = array<i32: 2>} : vector<16x112x96xi32>
    %mul3A = arith.constant 16 : i32
    %mul3A_13 = arith.muli %arg1, %mul3A : i32
    %add3A = vector.broadcast %mul3A_13 : i32 to vector<16x112x96xi32>
    %add3A_14 = arith.addi %add3A, %iota3A : vector<16x112x96xi32>
    %mul3A_15 = arith.constant 224 : i32
    %mul3A_16 = arith.muli %arg0, %mul3A_15 : i32
    %mul3A_17 = arith.constant 2 : i32
    %mul3A_18 = vector.broadcast %mul3A_17 : i32 to vector<16x112x96xi32>
    %mul3A_19 = arith.muli %mul3A_18, %add3A_14 : vector<16x112x96xi32>
    %add3A_20 = vector.broadcast %mul3A_16 : i32 to vector<16x112x96xi32>
    %add3A_21 = arith.addi %add3A_20, %mul3A_19 : vector<16x112x96xi32>
    %mul3A_22 = arith.constant 224 : i32
    %mul3A_23 = vector.broadcast %mul3A_22 : i32 to vector<16x112x96xi32>
    %mul3A_24 = arith.muli %add3A_21, %mul3A_23 : vector<16x112x96xi32>
    %mul3A_25 = arith.constant 2 : i32
    %mul3A_26 = vector.broadcast %mul3A_25 : i32 to vector<16x112x96xi32>
    %mul3A_27 = arith.muli %mul3A_26, %iota3A_11 : vector<16x112x96xi32>
    %add3A_28 = arith.addi %mul3A_24, %mul3A_27 : vector<16x112x96xi32>
    %mul3A_29 = arith.constant 96 : i32
    %mul3A_30 = vector.broadcast %mul3A_29 : i32 to vector<16x112x96xi32>
    %mul3A_31 = arith.muli %add3A_28, %mul3A_30 : vector<16x112x96xi32>
    %add3A_32 = arith.addi %mul3A_31, %iota3A_12 : vector<16x112x96xi32>
    %sub3A = arith.subi %get3A_10, %add3A_32 : vector<16x112x96xi32>
    %ge3A = arith.constant 21504 : i32
    %ge3A_33 = vector.broadcast %ge3A : i32 to vector<16x112x96xi32>
    %ge3A_34 = arith.cmpi sge, %sub3A, %ge3A_33 : vector<16x112x96xi32>
    %eq3A = arith.constant 96 : i32
    %eq3A_35 = vector.broadcast %eq3A : i32 to vector<16x112x96xi32>
    %eq3A_36 = arith.cmpi eq, %sub3A, %eq3A_35 : vector<16x112x96xi32>
    %eq3A_37 = arith.constant 21600 : i32
    %eq3A_38 = vector.broadcast %eq3A_37 : i32 to vector<16x112x96xi32>
    %eq3A_39 = arith.cmpi eq, %sub3A, %eq3A_38 : vector<16x112x96xi32>
    %or3A = arith.ori %eq3A_36, %eq3A_39 : vector<16x112x96xi1>
    %not3A = arith.constant dense<true> : vector<16x112x96xi1>
    %not3A_40 = arith.xori %ge3A_34, %not3A : vector<16x112x96xi1>
    %not3A_41 = arith.constant dense<true> : vector<16x112x96xi1>
    %not3A_42 = arith.xori %or3A, %not3A_41 : vector<16x112x96xi1>
    %broadcast_in_dim3A = arith.constant 0.000000e+00 : f32
    %broadcast_in_dim3A_43 = vector.broadcast %broadcast_in_dim3A : f32 to vector<16x112x96xf32>
    %and3A = arith.andi %not3A_40, %not3A_42 : vector<16x112x96xi1>
    %select_n3A = arith.select %and3A, %get3A_4, %broadcast_in_dim3A_43 : vector<16x112x96xi1>, vector<16x112x96xf32>
    %and3A_44 = arith.andi %not3A_40, %or3A : vector<16x112x96xi1>
    %select_n3A_45 = arith.select %and3A_44, %get3A_4, %broadcast_in_dim3A_43 : vector<16x112x96xi1>, vector<16x112x96xf32>
    %concatenate3A = tpu.concatenate %select_n3A, %select_n3A_45 in 2 : vector<16x112x96xf32>, vector<16x112x96xf32> -> vector<16x112x192xf32>
    %swap3A = arith.constant 0 : index
    %swap3A_46 = arith.constant 0 : index
    %swap3A_47 = arith.constant 0 : index
    %swap3A_48 = arith.constant 0 : index
    %swap3A_49 = arith.constant 0 : index
    %swap3A_50 = vector.load %arg4[%swap3A, %swap3A_46, %swap3A_47, %swap3A_48, %swap3A_49] : memref<1x16x2x112x192xf32, #tpu.memory_space<vmem>>, vector<1x16x1x112x192xf32>
    %swap3A_51 = vector.shape_cast %swap3A_50 : vector<1x16x1x112x192xf32> to vector<16x112x192xf32>
    %swap3A_52 = vector.shape_cast %concatenate3A : vector<16x112x192xf32> to vector<1x16x1x112x192xf32>
    tpu.vector_store %arg4[%swap3A, %swap3A_46, %swap3A_47, %swap3A_48, %swap3A_49], %swap3A_52 {strides = array<i32>} : memref<1x16x2x112x192xf32, #tpu.memory_space<vmem>>, vector<1x16x1x112x192xf32>,
    %and3A_53 = arith.andi %ge3A_34, %not3A_42 : vector<16x112x96xi1>
    %select_n3A_54 = arith.select %and3A_53, %get3A_4, %broadcast_in_dim3A_43 : vector<16x112x96xi1>, vector<16x112x96xf32>
    %and3A_55 = arith.andi %ge3A_34, %or3A : vector<16x112x96xi1>
    %select_n3A_56 = arith.select %and3A_55, %get3A_4, %broadcast_in_dim3A_43 : vector<16x112x96xi1>, vector<16x112x96xf32>
    %concatenate3A_57 = tpu.concatenate %select_n3A_54, %select_n3A_56 in 2 : vector<16x112x96xf32>, vector<16x112x96xf32> -> vector<16x112x192xf32>
    %swap3A_58 = arith.constant 0 : index
    %swap3A_59 = arith.constant 0 : index
    %swap3A_60 = arith.constant 1 : index
    %swap3A_61 = arith.constant 0 : index
    %swap3A_62 = arith.constant 0 : index
    %swap3A_63 = vector.load %arg4[%swap3A_58, %swap3A_59, %swap3A_60, %swap3A_61, %swap3A_62] : memref<1x16x2x112x192xf32, #tpu.memory_space<vmem>>, vector<1x16x1x112x192xf32>
    %swap3A_64 = vector.shape_cast %swap3A_63 : vector<1x16x1x112x192xf32> to vector<16x112x192xf32>
    %swap3A_65 = vector.shape_cast %concatenate3A_57 : vector<16x112x192xf32> to vector<1x16x1x112x192xf32>
    tpu.vector_store %arg4[%swap3A_58, %swap3A_59, %swap3A_60, %swap3A_61, %swap3A_62], %swap3A_65 {strides = array<i32>} : memref<1x16x2x112x192xf32, #tpu.memory_space<vmem>>, vector<1x16x1x112x192xf32>,
    return
  }
  func.func @transform_0(%arg0: i32, %arg1: i32) -> (i32, i32, i32, i32) {
    %c0_i32 = arith.constant 0 : i32
    %c0_i32_0 = arith.constant 0 : i32
    %c0_i32_1 = arith.constant 0 : i32
    return %arg0, %arg1, %c0_i32, %c0_i32_0 : i32, i32, i32, i32
  }
  func.func @transform_1(%arg0: i32, %arg1: i32) -> (i32, i32, i32, i32) {
    %c0_i32 = arith.constant 0 : i32
    %c0_i32_0 = arith.constant 0 : i32
    %c0_i32_1 = arith.constant 0 : i32
    return %arg0, %arg1, %c0_i32, %c0_i32_0 : i32, i32, i32, i32
  }
  func.func @transform_2(%arg0: i32, %arg1: i32) -> (i32, i32, i32, i32, i32) {
    %c0_i32 = arith.constant 0 : i32
    %c0_i32_0 = arith.constant 0 : i32
    %c0_i32_1 = arith.constant 0 : i32
    %c0_i32_2 = arith.constant 0 : i32
    return %arg0, %arg1, %c0_i32, %c0_i32_0, %c0_i32_1 : i32, i32, i32, i32, i32
  }
}

</mosaic_0001>

<sc_bundles>
// kernel: sparse-core-data-format-call.cloned.1.call-start
scs
called_computation_lowered:
.L_overlay_start_0:
0x0: {  	s2 =	sld [smem:$0x3FD9]  }
0x1: {  	s3 =	sld [smem:$0x3FFE];
	_ =	sdelay $0x1  }
0x2: {  	s1 =	srdreg.scid  }
0x3: {  	s0 =	sand.u32 $0x1, s1  }
0x4: {  	s18 =	sshll.u32 s0, $0xA;
	s2 =	sadd.s32 s3, s2  }
0x5: {  	s2 =	sadd.s32 s2, s18  }
0x6: {  	[smem:$0x3FC6] =	sst s2  }
0x7: {  	_ = 	snop  }
0x8: {  	s2 =	sld [smem:$0x3FD0];
	(tm) =	ssettm $0x1  }
0x9: {  	s19 =	sld [smem:$0x3FFB];
	_ =	sdelay $0x3  }
0xa: {  	_ =	strace s19  }
0xb: {  	s3 =	sld [smem:$0x3FFC];
	_ =	sdelay $0x3  }
0xc: {  	_ =	strace s3  }
0xd: {  	s3 =	sld [smem:$0x3FFD];
	_ =	sdelay $0x3  }
0xe: {  	_ =	strace s3  }
0xf: {  	_ =	strace $0x8FFFFFFF  }
0x10: {  	s20 =	sld [smem:$0x3FDB];
	_ =	sdelay $0x1  }
0x11: {  	s4 =	simm.s32 $_scs_section_size  }
0x12: {  	s5 =	simm.s32 $_size__tile_overlayer_lowered;
	s6 =	simm.s32 $_tile_overlayer_lowered  }
0x13: {  	s23 =	simm.s32 $0x1BFF;
	s22 =	sshll.u32 s6, $0x1;
	s3 =	sadd.s32 s4, s20  }
0x14: {  	s7 =	simm.s32 $0x0;
	s21 =	sshll.u32 s5, $0x1;
	s5 =	sadd.s32 s22, s3  }
0x15: {  	[timem:s7], [sflag:s23] =	dma.local [hbm:s5], s21  }
0x16: {  	_ =	swait.ge [sflag:s23], s21  }
0x17: {  	s4 =	ssub.s32 $0x0, s21;
	[sflag:s23] =	ssyncset.done $0x0  }
0x18: {  	[sflag:s23] =	ssyncadd.s32 s4;
	_ =	sdelay $0x1  }
0x19: {  	s24 =	simm.s32 $0x1B8B  }
0x1a: {  	_ =	swait.ge [sflag:s24], $0x1  }
0x1b: {  	[sflag:s24] =	ssyncset.done $0x0  }
0x1c: {  	s26 =	simm.s32 $0x1B8E;
	s25 =	sld [smem:$0x3FFE];
	[sflag:s24] =	ssyncadd.s32 $0xFFFFFFFF  }
0x1d: {  	s27 =	simm.s32 $execute0_lowered;
	[smem:$0x3FD2] =	sst s26  }
0x1e: {  	s5 =	sshll.u32 s27, $0x1;
	_ =	strace $0x80000046;
	[dreg:$0x1] =	wrdreg $0xFFFFFFFF  }
0x1f: {  	s28 =	simm.s32 $_size_execute0_lowered;
	s3 =	sadd.s32 s3, s5;
	[dreg:$0x0] =	wrdreg $0x0  }
0x20: {  	s5 =	sshll.u32 s28, $0x1;
	[dreg:$0x2] =	wrdreg s3  }
0x21: {  	[dreg:$0x3] =	wrdreg s5  }
0x22: {  	[dreg:$0x4] =	wrdreg $0xC0  }
0x23: {  	_ =	task [dreg:s7], $0x5FFFF  }
0x24: {  	[dreg:$0x1] =	wrdreg $0xFFFFFFFF  }
0x25: {  	[dreg:$0x0] =	wrdreg $0x60  }
0x26: {  	[dreg:$0x2] =	wrdreg s25  }
0x27: {  	[dreg:$0x3] =	wrdreg s2  }
0x28: {  	[dreg:$0x4] =	wrdreg $0x9  }
0x29: {  	_ =	task.clear_ibuf [dreg:s7], $0x5FFFF;
	_ =	strace $0x90000046  }
0x2a: {  	s29 =	simm.s32 $0x9;
	_ =	strace $0x80000048  }
0x2b: {  	_ =	swait.ge [sflag:s29], $0x1  }
0x2c: {  	[sflag:s29] =	ssyncadd.s32 $0xFFFFFFFF  }
0x2d: {  	_ =	strace $0x90000048  }
0x2e: {  	_ =	sfence  }
0x2f: {  	s30 =	sld [smem:$0x0];
	_ =	sdelay $0x2  }
0x30: {  	s31 =	sshll.u32 s1, $0xD;
	s1 =	sshrl.u32 s1, $0x2  }
0x31: {  	s3 =	sand.u32 $0x4000, s31;
	s1 =	sadd.s32 s1, s30  }
0x32: {  	s0 =	sor.u32 s3, s0;
	s1 =	sshll.u32 s1, $0x11  }
0x33: {  	s0 =	sor.u32 s1, s0  }
0x34: {  	s0 =	sadd.s32 $0x8F2B, s0  }
0x35: {  	[sflag:s0] =	ssyncadd.remote.s32 $0x1  }
0x36: {  	_ =	sfence.sel $0xFFFF  }
0x37: {  	[dreg:$0x0] =	wrdreg $0xFFFFFFFF;
	(pc) =	sbr.abs _section_cstart, $3  }
0x38: {  	[dreg:$0x1] =	wrdreg $0xFFFFFFFF  }
0x39: {  	_ =	task.clear_ibuf [dreg:s7], $0x2FFFF;
	_ =	strace $0x9FFFFFFF  }
0x3a: {  	(tm) =	ssettm $0x7FFFFFFF  }
0x3b: {  	_ =	shalt  }
tec
execute0_lowered:
.L_overlay_start_1:
0x0: {  	(tag) =	ssettag $0x1  }
0x1: {  	s0 =	rddreg [dreg:$0x0]  }
0x2: {  	s1 =	srdreg.scid;
	_ =	strace $0x80000047;
	s2 =	stileid.u32  }
0x3: {  	s30 =	simm.s32 $0x1;
	s31 =	simm.s32 $0x2;
	s15 =	simm.s32 $0x0  }
0x4: {  	s16 =	simm.s32 $0x0;
	s17 =	simm.s32 $0x0;
	s8 =	simm.s32 $0x0  }
0x5: {  	s10 =	simm.s32 $0x0;
	s12 =	simm.s32 $0x0;
	s11 =	simm.s32 $0x0  }
.Ltmp0:
0x6: {  	s9 =	simm.s32 $0x0;
	s29 =	sshll.u32 s1, $0x4;
	(pc) =	sbr.rel .LBB1_1-.Ltmp0, $4  }
0x7: {  	s6 =	sadd.s32 $0x7A8400, s0;
	[sflag:s30] =	ssyncpa.u1 $0x0;
	s0 =	sand.u32 $0x10, s29  }
0x8: {  	s7 =	sand.u32 $0x7, s2;
	[dreg:$0x3] =	wrdreg s6;
	s0 =	sor.u32 s2, s0  }
0x9: {  	[sflag:s31] =	ssyncpa.u1 $0x0;
	[dreg:$0x4] =	wrdreg s7;
	s22 =	sshrl.u32 s0, $0x3  }
0xa: {  	s14 =	smov.u32 s7;
	s13 =	smov.u32 s22;
	[dreg:$0x5] =	wrdreg s22  }
.LBB1_9:
0xb: {  	p0 =	sgt.s32 s8, $0x80;
	s3 =	smul.u32 $0xA8000, s12  }
0xc: {  	s0 =	smov.u32 s8;
	s1 =	sshrl.u32 s8, $0x5;
	s27 =	smul.u32 $0xC00, s10  }
0xd: {  	s4 =	sshrl.u32 s8, $0x3;
	s5 =	rddreg [dreg:$0x1];
	s0 =	simm.s32 @!p0 $0x80  }
0xe: {  	s28 =	sand.u32 $0x7, s8;
	s1 =	sand.u32 $0xFFFFFC, s1;
	s0 =	sadd.s32 s19, s0  }
0xf: {  	s29 =	rddreg [dreg:$0x6];
	s26 =	smulhi.u32 $0x2AAAAAB, s1;
	s2 =	sadd.s32 $0xFFFFFF80, s0  }
0x10: {  	s6 =	rddreg [dreg:$0x3];
	s0 =	ssub.s32 $0x100, s0;
	p0 =	sgt.s32 s2, $0x7F  }
0x11: {  	s7 =	rddreg [dreg:$0x4];
	s2 =	smul.u32 $0x60, s26;
	s0 =	simm.s32 @p0 $0x0  }
0x12: {  	s31 =	simm.s32 $0x800;
	s22 =	rddreg [dreg:$0x5];
	s0 =	smul.u32 s0, s18  }
0x13: {  	s4 =	sand.u32 $0xF, s4;
	s3 =	sadd.s32 s5, s3;
	s1 =	ssub.s32 s1, s2  }
0x14: {  	s2 =	sadd.s32 s27, s3;
	s3 =	sshll.u32 s28, $0x12;
	s0 =	smul.u32 $0x60, s0  }
0x15: {  	s1 =	sshll.u32 s1, $0x5;
	s2 =	sadd.s32 s4, s2;
	s4 =	sor.u32 $0x8000, s29  }
0x16: {  	s30 =	sor.u32 $0x400, s3;
	s1 =	sadd.s32 s1, s2;
	s0 =	sand.u32 $0x3FFFFFE0, s0  }
0x17: {  	[hbm4b:s1+s30] =	stream.strided.scatter [tilespmem:s4], [sflag:$0x2], s0, s31, s30, $0x20;
	[tilespmem:$0x10100] =	vst v63  }
.LBB1_10:
0x18: {  	p0 =	slt.u32 s9, $0x2  }
0x19: {  	p1 =	sgt.s32 @!p0 s17, $0x7  }
0x1a: {  	s0 =	smov.u32 s17;
	s1 =	sshra.s32 @!p0 s17, $0x1F;
	p1 =	por !p1, p0  }
0x1b: {  	s2 =	smov.u32 s16;
	s1 =	sand.u32 @!p0 s1, s17;
	s0 =	simm.s32 @p1 $0x7  }
0x1c: {  	s3 =	sshra.s32 @!p0 s16, $0x1F;
	p1 =	sgt.s32 @!p0 s16, $0xDF;
	s0 =	ssub.s32 @!p0 s0, s1  }
0x1d: {  	s4 =	sshra.s32 @!p0 s15, $0x1F;
	p2 =	por !p1, p0;
	s1 =	sadd.s32 @!p0 $0xFFFFFFF9, s0  }
0x1e: {  	s2 =	simm.s32 @p2 $0xDF;
	p1 =	sgt.s32 @!p0 s1, $0x0;
	s1 =	sand.u32 @!p0 s3, s16  }
0x1f: {  	s0 =	ssub.s32 @!p0 $0x8, s0;
	p2 =	sgt.s32 @!p0 s15, $0x80;
	s1 =	ssub.s32 @!p0 s2, s1  }
0x20: {  	p2 =	por !p2, p0;
	s3 =	smov.u32 s15;
	s2 =	sadd.s32 @!p0 $0xFFFFFF21, s1  }
0x21: {  	s3 =	simm.s32 @p2 $0x80;
	p2 =	sgt.s32 @!p0 s2, $0x0;
	s2 =	sand.u32 @!p0 s4, s15  }
0x22: {  	s0 =	smul.u32 @!p0 $0x60, s0;
	p1 =	por !p1, p0;
	s2 =	ssub.s32 @!p0 s3, s2  }
0x23: {  	s1 =	ssub.s32 @!p0 $0xE0, s1;
	p2 =	por !p2, p0;
	s3 =	sadd.s32 @!p0 $0xFFFFFF80, s2  }
0x24: {  	s0 =	simm.s32 @!p1 $0x0;
	s1 =	simm.s32 @!p2 $0x0;
	p2 =	sgt.s32 @!p0 s3, $0x7F  }
0x25: {  	s2 =	ssub.s32 @!p0 $0x100, s2;
	s0 =	smul.u32 @!p0 s1, s0;
	p1 =	por !p2, p0  }
0x26: {  	s1 =	sadd.s32 $0x80, s11;
	s3 =	smov.u32 s13;
	s2 =	simm.s32 @!p1 $0x0  }
0x27: {  	p1 =	sgt.s32 s1, $0xDF;
	s0 =	smul.u32 @!p0 s2, s0;
	s2 =	sadd.s32 $0x4, s13  }
0x28: {  	s3 =	smov.u32 @p1 s2  }
0x29: {  	s5 =	smov.u32 s14;
	s2 =	sadd.s32 $0x8, s14;
	p2 =	sgt.s32 s3, $0xDF  }
0x2a: {  	s9 =	sadd.s32 $0x1, s9;
	s5 =	smov.u32 @p2 s2  }
0x2b: {  	s17 =	smov.u32 s12;
	s1 =	simm.s32 @p1 $0x0;
	p1 =	sgt.s32 s5, $0x7  }
0x2c: {  	s12 =	smov.u32 s14;
	s5 =	smov.u32 @p1 s7;
	p1 =	sne.s32 s9, $0x72  }
.Ltmp1:
0x2d: {  	s16 =	smov.u32 s10;
	s10 =	smov.u32 s13;
	(pc) =	sbr.rel @!p1 .LBB1_11-.Ltmp1, $4  }
0x2e: {  	s4 =	simm.s32 @!p0 $0x2;
	s15 =	smov.u32 s8;
	s0 =	sand.u32 @!p0 $0x3FFFFFE0, s0  }
0x2f: {  	s8 =	smov.u32 s11;
	s11 =	smov.u32 s1;
	_ =	swait.ge @!p0 [sflag:s4], s0  }
0x30: {  	s0 =	ssub.s32 @!p0 $0x0, s0;
	s3 =	smov.u32 @p2 s22;
	[sflag:s4] =	ssyncset.done @!p0 $0x0  }
0x31: {  	s13 =	smov.u32 s3;
	[sflag:s4] =	ssyncadd.s32 @!p0 s0;
	s14 =	smov.u32 s5  }
.LBB1_1:
0x32: {  	p0 =	sgt.u32 s9, $0x6F;
	s18 =	smov.u32 s14  }
0x33: {  	s0 =	sand.u32 @!p0 $0x1FFFFFF, s11;
	p1 =	sgt.s32 @!p0 s14, $0x7;
	s19 =	sshra.s32 @!p0 s14, $0x1F  }
0x34: {  	s20 =	sshra.s32 @!p0 s13, $0x1F;
	s1 =	smulhi.u32 @!p0 $0x2492493, s0;
	p1 =	por !p1, p0  }
0x35: {  	s19 =	sand.u32 @!p0 s19, s14;
	s20 =	sand.u32 @!p0 s20, s13;
	s18 =	simm.s32 @p1 $0x7  }
0x36: {  	p1 =	sgt.s32 @!p0 s13, $0xDF;
	s1 =	sshrl.u32 @!p0 s1, $0x1;
	s18 =	ssub.s32 @!p0 s18, s19  }
0x37: {  	p1 =	por !p1, p0;
	s19 =	smov.u32 s13;
	s1 =	smul.u32 @!p0 $0xE0, s1  }
0x38: {  	s19 =	simm.s32 @p1 $0xDF;
	p1 =	sgt.s32 @!p0 s11, $0x60;
	s18 =	sadd.s32 @!p0 $0xFFFFFFF9, s18  }
0x39: {  	s19 =	ssub.s32 @!p0 s19, s20;
	p1 =	por !p1, p0;
	s20 =	smov.u32 s11  }
0x3a: {  	p2 =	sgt.s32 @!p0 s18, $0x0;
	s18 =	sshll.u32 @!p0 s18, $0x7;
	s21 =	sadd.s32 @!p0 $0xFFFFFF21, s19  }
0x3b: {  	s20 =	simm.s32 @p1 $0x60;
	p1 =	sgt.s32 @!p0 s21, $0x0;
	s21 =	sshra.s32 @!p0 s11, $0x1F  }
0x3c: {  	s19 =	ssub.s32 @!p0 $0xE0, s19;
	s18 =	ssub.s32 @!p0 $0x80, s18;
	s21 =	sand.u32 @!p0 s21, s11  }
0x3d: {  	p2 =	por !p2, p0;
	p1 =	por !p1, p0;
	s20 =	ssub.s32 @!p0 s20, s21  }
0x3e: {  	s18 =	simm.s32 @!p2 $0x0;
	s19 =	simm.s32 @!p1 $0x0;
	s21 =	sadd.s32 @!p0 $0xFFFFFFA0, s20  }
0x3f: {  	s0 =	ssub.s32 @!p0 s0, s1;
	s18 =	smul.u32 @!p0 s19, s18;
	p1 =	sgt.s32 @!p0 s21, $0x7F  }
0x40: {  	s19 =	ssub.s32 @!p0 $0xE0, s20;
	s20 =	smul.u32 @!p0 $0xC4000, s14;
	p1 =	por !p1, p0  }
0x41: {  	s1 =	smul.u32 @!p0 $0xE00, s13;
	s21 =	sxor.u32 @!p0 $0xFFFFFFFF, s9;
	s19 =	simm.s32 @!p1 $0x0  }
0x42: {  	s21 =	sshll.u32 @!p0 s21, $0xE;
	s18 =	smul.u32 @!p0 s19, s18;
	s19 =	sadd.s32 @!p0 s6, s20  }
0x43: {  	s0 =	sshll.u32 @!p0 s0, $0x4;
	s20 =	sand.u32 @!p0 $0x4000, s21;
	s1 =	sadd.s32 @!p0 s1, s19  }
0x44: {  	s18 =	sand.u32 @!p0 $0x3FFFFF80, s18;
	s0 =	sadd.s32 @!p0 s0, s1;
	s1 =	simm.s32 @!p0 $0x0  }
0x45: {  	[tilespmem:s20], [sflag:$0x1] =	stream.linear.gather @!p0 [hbm4b:s0+s1], s18, $0x38;
	[tilespmem:$0x10100] =	vst v63  }
0x46: {  	p0 =	seq.s32 s9, $0x0  }
0x47: {  	p1 =	seq.s32 @!p0 s9, $0x71  }
0x48: {  	p0 =	por p0, p1  }
.Ltmp2:
0x49: {  	_ = 	snop;
	(pc) =	sbr.rel @p0 .LBB1_10-.Ltmp2, $1  }
0x4a: {  	_ =	sdelay $0x3  }
0x4b: {  	p0 =	sgt.s32 s12, $0x7;
	s0 =	smov.u32 s12;
	s1 =	sshra.s32 s12, $0x1F  }
0x4c: {  	s18 =	sshra.s32 s10, $0x1F;
	s26 =	ssub.s32 $0x0, s8;
	s27 =	sshra.s32 s8, $0x1F  }
0x4d: {  	p1 =	sgt.s32 s8, $0x60;
	s20 =	smov.u32 s8;
	s0 =	simm.s32 @!p0 $0x7  }
0x4e: {  	s1 =	sand.u32 s1, s12;
	p0 =	sgt.s32 s10, $0xDF;
	s18 =	sand.u32 s18, s10  }
0x4f: {  	s20 =	simm.s32 @!p1 $0x60;
	s0 =	ssub.s32 s0, s1;
	s1 =	smov.u32 s10  }
0x50: {  	s19 =	sadd.s32 $0xFFFFFFF9, s0;
	s1 =	simm.s32 @!p0 $0xDF;
	s0 =	ssub.s32 $0x8, s0  }
0x51: {  	p0 =	sgt.s32 s19, $0x0;
	s1 =	ssub.s32 s1, s18;
	s19 =	sand.u32 s26, s27  }
0x52: {  	s21 =	sadd.s32 $0xFFFFFF21, s1;
	s1 =	ssub.s32 $0xE0, s1;
	s18 =	sadd.s32 s19, s20  }
0x53: {  	s0 =	simm.s32 @p0 $0x0;
	p1 =	sgt.s32 s21, $0x0;
	s20 =	sadd.s32 $0xFFFFFFA0, s18  }
0x54: {  	s1 =	simm.s32 @p1 $0x0;
	s28 =	sshll.u32 s20, $0x7;
	p0 =	sgt.s32 s20, $0x7F  }
0x55: {  	s18 =	smul.u32 s0, s1;
	s0 =	ssub.s32 $0x4000, s28;
	s1 =	sadd.s32 $0x1, s12  }
0x56: {  	s20 =	sadd.s32 $0x1, s10;
	s0 =	simm.s32 @p0 $0x0;
	p0 =	slt.s32 s1, $0x8  }
0x57: {  	s1 =	simm.s32 @!p0 $0x8;
	p0 =	slt.s32 s20, $0xE0  }
0x58: {  	s21 =	ssub.s32 s1, s12;
	s20 =	simm.s32 @!p0 $0xE0;
	s1 =	sadd.s32 $0x80, s8  }
0x59: {  	s22 =	ssub.s32 s20, s10;
	p1 =	slt.s32 s1, $0xE0;
	p0 =	slt.s32 s21, $0x1  }
0x5a: {  	s1 =	simm.s32 @!p1 $0xE0;
	p1 =	slt.s32 @!p0 s22, $0x1  }
0x5b: {  	s23 =	ssub.s32 s1, s8;
	p1 =	por p0, p1  }
0x5c: {  	p2 =	slt.s32 @!p1 s23, $0x1  }
0x5d: {  	s0 =	smul.u32 s18, s0;
	p1 =	por p1, p2  }
.Ltmp3:
0x5e: {  	_ = 	snop;
	(pc) =	sbr.rel @p1 .LBB1_9-.Ltmp3, $4  }
0x5f: {  	s2 =	simm.s32 $0x1;
	s29 =	sand.u32 $0x3FFFFF80, s0;
	s0 =	sand.u32 $0x1, s9  }
0x60: {  	_ =	swait.ge [sflag:s2], s29;
	s31 =	smul.u32 $0x4080, s0  }
0x61: {  	s30 =	ssub.s32 $0x0, s29;
	[sflag:s2] =	ssyncset.done $0x0  }
0x62: {  	[sflag:s2] =	ssyncadd.s32 s30;
	[dreg:$0x6] =	wrdreg s31  }
0x63: {  	s24 =	sshll.u32 @!p0 s0, $0xE;
	s0 =	rddreg [dreg:$0x6]  }
0x64: {  	s26 =	simm.s32 $0x0;
	s25 =	sor.u32 @!p0 $0x8000, s0  }
.LBB1_4:
0x65: {  	s27 =	simm.s32 $0x0  }
.LBB1_5:
0x66: {  	s0 =	sadd.s32 s26, s27  }
0x67: {  	s1 =	sshll.u32 s0, $0x10  }
0x68: {  	s1 =	sshra.s32 s1, $0x2  }
0x69: {  	s1 =	sadd.s32 s1, s24  }
0x6a: {  	s29 =	simm.s32 $0x0;
	s7 =	simm.s32 $0x0;
	s0 =	smul.u32 $0x10200, s0;
	v0 =	vmov s1  }
0x6b: {  	s31 =	simm.s32 $0x10;
	s4 =	simm.s32 $0x30;
	s3 =	simm.s32 $0x50  }
0x6c: {  	s31 =	sand.u32 $0x78, s31;
	s4 =	sand.u32 $0x78, s4;
	s0 =	sshra.s32 s0, $0x2  }
0x6d: {  	s31 =	smul.u32 $0x204, s31;
	s28 =	sadd.s32 s0, s25;
	s0 =	sand.u32 $0x78, s7  }
0x6e: {  	s4 =	smul.u32 $0x204, s4;
	s1 =	sand.u32 $0x3F80, s29;
	s2 =	sxor.u32 $0x40, s0  }
0x6f: {  	s30 =	simm.s32 $0x1;
	s3 =	sand.u32 $0x78, s3;
	s2 =	smul.u32 $0x204, s2;
	v1 =	vld.idx.msk [tilespmem:v0+s1+$0x40 ss:$0x1], $0xffff  }
0x70: {  	p0 =	sne.s32 s23, $0x1;
	s5 =	sand.u32 $0x7F, s29;
	s3 =	smul.u32 $0x204, s3  }
0x71: {  	s7 =	simm.s32 $0x20;
	s0 =	smul.u32 $0x204, s0;
	s2 =	sshrl.u32 s2, $0x2;
	v2 =	vld.idx.msk [tilespmem:v0+s1+$0x0 ss:$0x1], $0xffff  }
0x72: {  	s31 =	sshrl.u32 s31, $0x2;
	s7 =	sand.u32 $0x78, s7;
	v3 =	vld.idx.msk [tilespmem:v0+s1+$0x10 ss:$0x1], $0xffff;
	s2 =	sadd.s32 s2, s28  }
0x73: {  	s7 =	smul.u32 $0x204, s7;
	s0 =	sshrl.u32 s0, $0x2;
	v4 =	vld.idx.msk [tilespmem:v0+s1+$0x20 ss:$0x1], $0xffff;
	s2 =	sadd.s32 s5, s2  }
.Ltmp4:
0x74: {  	s4 =	sshrl.u32 s4, $0x2;
	s0 =	sadd.s32 s0, s28;
	[tilespmem:s2+$0x0 ss:$0x81] =	vst.msk $0xffff, v1;
	v1 =	vld.idx.msk [tilespmem:v0+s1+$0x30 ss:$0x1], $0xffff;
	(pc) =	sbr.rel @!p0 .LBB1_7-.Ltmp4, $4  }
0x75: {  	s20 =	sadd.s32 s31, s28;
	s7 =	sshrl.u32 s7, $0x2;
	s0 =	sadd.s32 s5, s0  }
0x76: {  	s3 =	sshrl.u32 s3, $0x2;
	s7 =	sadd.s32 s7, s28;
	[tilespmem:s0+$0x0 ss:$0x81] =	vst.msk $0xffff, v2;
	s2 =	sadd.s32 s5, s20;
	v2 =	vld.idx.msk [tilespmem:v0+s1+$0x50 ss:$0x1], $0xffff  }
0x77: {  	s6 =	sadd.s32 s4, s28;
	s20 =	sadd.s32 s5, s7;
	[tilespmem:s2+$0x0 ss:$0x81] =	vst.msk $0xffff, v3;
	s2 =	sadd.s32 s3, s28  }
0x78: {  	s31 =	simm.s32 $0x2808;
	s1 =	sadd.s32 s5, s6;
	[tilespmem:s20+$0x0 ss:$0x81] =	vst.msk $0xffff, v4;
	s0 =	sadd.s32 s5, s2  }
.LBB1_6:
0x79: {  	s2 =	sadd.s32 $0xFFFFD800, s31;
	s3 =	sadd.s32 $0xFFFFE000, s31;
	[tilespmem:s1+$0x0 ss:$0x81] =	vst.msk $0xffff, v1;
	s1 =	smov.u32 s30  }
0x7a: {  	s30 =	sadd.s32 $0x1, s30;
	s29 =	sadd.s32 $0x80, s29;
	s4 =	sadd.s32 $0xFFFFE800, s31  }
0x7b: {  	s5 =	sadd.s32 $0xFFFFF000, s31;
	s2 =	sshrl.u32 s2, $0x7;
	p0 =	sne.s32 s23, s30;
	[tilespmem:s0+$0x0 ss:$0x81] =	vst.msk $0xffff, v2  }
0x7c: {  	s6 =	sshrl.u32 s31, $0x7;
	s0 =	sand.u32 $0x3F80, s29;
	s2 =	sand.u32 $0x78, s2  }
0x7d: {  	s3 =	sshrl.u32 s3, $0x7;
	s4 =	sshrl.u32 s4, $0x7;
	v3 =	vld.idx.msk [tilespmem:v0+s0+$0x40 ss:$0x1], $0xffff;
	s7 =	sxor.u32 $0x40, s2  }
0x7e: {  	s5 =	sshrl.u32 s5, $0x7;
	s6 =	sand.u32 $0x78, s6;
	v4 =	vld.idx.msk [tilespmem:v0+s0+$0x0 ss:$0x1], $0xffff;
	s7 =	smul.u32 $0x204, s7  }
0x7f: {  	s20 =	sand.u32 $0x7F, s1;
	s3 =	sand.u32 $0x78, s3;
	s4 =	sand.u32 $0x78, s4;
	v5 =	vld.idx.msk [tilespmem:v0+s0+$0x10 ss:$0x1], $0xffff  }
0x80: {  	s5 =	sand.u32 $0x78, s5;
	s1 =	smul.u32 $0x204, s2;
	v6 =	vld.idx.msk [tilespmem:v0+s0+$0x20 ss:$0x1], $0xffff;
	s7 =	sshrl.u32 s7, $0x2  }
0x81: {  	s3 =	smul.u32 $0x204, s3;
	v1 =	vld.idx.msk [tilespmem:v0+s0+$0x30 ss:$0x1], $0xffff;
	s2 =	sadd.s32 s7, s28  }
0x82: {  	s2 =	sadd.s32 s20, s2;
	v2 =	vld.idx.msk [tilespmem:v0+s0+$0x50 ss:$0x1], $0xffff;
	s0 =	sshrl.u32 s1, $0x2;
	s1 =	smul.u32 $0x204, s4  }
0x83: {  	s4 =	smul.u32 $0x204, s6;
	[tilespmem:s2+$0x0 ss:$0x81] =	vst.msk $0xffff, v3  }
0x84: {  	s0 =	sadd.s32 s0, s28;
	s2 =	sshrl.u32 s3, $0x2;
	s3 =	smul.u32 $0x204, s5  }
.Ltmp5:
0x85: {  	s2 =	sadd.s32 s2, s28;
	s1 =	sshrl.u32 s1, $0x2;
	(pc) =	sbr.rel @p0 .LBB1_6-.Ltmp5, $4  }
0x86: {  	s0 =	sadd.s32 s20, s0;
	s1 =	sadd.s32 s1, s28;
	s3 =	sshrl.u32 s3, $0x2  }
0x87: {  	[tilespmem:s0+$0x0 ss:$0x81] =	vst.msk $0xffff, v4;
	s0 =	sadd.s32 s20, s2;
	s2 =	sadd.s32 s3, s28;
	s3 =	sshrl.u32 s4, $0x2  }
0x88: {  	[tilespmem:s0+$0x0 ss:$0x81] =	vst.msk $0xffff, v5;
	s0 =	sadd.s32 s20, s1;
	s1 =	sadd.s32 s20, s2;
	s2 =	sadd.s32 s3, s28  }
0x89: {  	s31 =	sadd.s32 $0x8, s31;
	[tilespmem:s0+$0x0 ss:$0x81] =	vst.msk $0xffff, v6;
	s0 =	sadd.s32 s20, s2  }
.LBB1_7:
0x8a: {  	s27 =	sadd.s32 $0x1, s27  }
0x8b: {  	p0 =	sne.s32 s27, s22  }
.Ltmp6:
0x8c: {  	_ = 	snop;
	(pc) =	sbr.rel @p0 .LBB1_5-.Ltmp6, $3  }
0x8d: {  	_ =	sdelay $0x1  }
0x8e: {  	[tilespmem:s1+$0x0 ss:$0x81] =	vst.msk $0xffff, v1  }
0x8f: {  	[tilespmem:s0+$0x0 ss:$0x81] =	vst.msk $0xffff, v2  }
0x90: {  	s26 =	sadd.s32 $0x1, s26  }
0x91: {  	p0 =	sne.s32 s26, s21  }
.Ltmp7:
0x92: {  	_ = 	snop;
	(pc) =	sbr.rel @p0 .LBB1_4-.Ltmp7, $4  }
.Ltmp8:
0x93: {  	_ = 	snop;
	(pc) =	sbr.rel @!p0 .LBB1_9-.Ltmp8, $4  }
0x94: {  	_ = 	snop  }
0x95: {  	_ = 	snop  }
0x96: {  	_ = 	snop  }
0x97: {  	_ = 	snop  }
.LBB1_11:
0x98: {  	_ =	sfence.sel $0x180000  }
0x99: {  	s0 =	simm.s32 $0x1;
	[bflag:$0x0] =	sbarrier.arrive $0xFFFF  }
0x9a: {  	s30 =	simm.s32 $0x2;
	[sflag:s0] =	ssyncpa.u1 $0x1  }
0x9b: {  	[sflag:s30] =	ssyncpa.u1 $0x1  }
0x9c: {  	_ =	strace $0x90000047  }
0x9d: {  	s31 =	stileid.u32;
	[bflag:$0x2] =	sbarrier.arrive $0xFFFF  }
0x9e: {  	p0 =	sne.s32 s31, $0x0;
	s0 =	rddreg [dreg:$0x2]  }
0x9f: {  	s0 =	sadd.s32 @!p0 $0x100000, s0  }
0xa0: {  	[sflag:s0] =	ssyncadd.tile.s32 @!p0 $0x1;
	_ =	shalt  }
.Lfunc_end1:
_tile_overlayer_lowered:
.L_overlay_start_2:
0xa1: {  	(tag) =	ssettag $0x2  }
0xa2: {  	s0 =	rddreg [dreg:$0x0];
	s2 =	stileid.u32  }
0xa3: {  	s1 =	rddreg [dreg:$0x1];
	p0 =	sne.s32 s2, $0x0  }
0xa4: {  	s3 =	rddreg [dreg:$0x2];
	[bflag:$0x3] =	sbarrier.arrive $0xFFFF;
	s2 =	simm.s32 @!p0 $0x1C01  }
0xa5: {  	[timem:s3], [sflag:s2] =	dma.local @!p0 [hbm:s0], s1  }
0xa6: {  	s0 =	simm.s32 @!p0 $0x1  }
0xa7: {  	_ =	swait.ge @!p0 [sflag:s0], s1  }
0xa8: {  	s1 =	ssub.s32 @!p0 $0x0, s1;
	[sflag:s0] =	ssyncset.done @!p0 $0x0  }
0xa9: {  	[sflag:s0] =	ssyncadd.s32 @!p0 s1  }
0xaa: {  	[bflag:$0x3] =	sbarrier.arrive $0xFFFF  }
0xab: {  	_ =	shalt  }

</sc_bundles>
